<compile_context>
chip_gen: v7x
topology: tpu7x:2x2x1
jax: 0.10.2.dev20260603
libtpu: 0.0.44.dev20260713+nightly
codegen_flags: <defaults>
</compile_context>

<pallas_src>
import functools

import jax
import jax.numpy as jnp
from jax import lax
from jax.experimental import pallas as pl
from jax.experimental.pallas import tpu as pltpu
from jax.experimental.pallas import tpu_sc as plsc

V = 8192
D = 8192
NW = 32
NPW = 256
C = 4
NCH = NPW // C
NBUF = 3
K = 1
NGRP = -(-NCH // NBUF)

_MESH = plsc.VectorSubcoreMesh(core_axis_name="c", subcore_axis_name="s")


@functools.partial(
    pl.kernel,
    out_type=jax.ShapeDtypeStruct((NW * NPW, D), jnp.float32),
    mesh=_MESH,
    scratch_types=[
        pltpu.VMEM((NCH, C), jnp.int32),
        [pltpu.VMEM((C, D), jnp.float32) for _ in range(NBUF)],
        [pltpu.SemaphoreType.DMA for _ in range(NBUF)],
        [pltpu.SemaphoreType.DMA for _ in range(NBUF)],
    ],
)
def _sc_gather(idx_hbm, table_hbm, out_hbm, idx_v, bufs, sem_in, sem_out):
    wid = lax.axis_index("s") * 2 + lax.axis_index("c")
    base = wid * NPW

    def gather(g, b):
        return pltpu.make_async_copy(
            table_hbm.at[idx_v.at[g]], bufs[b], sem_in[b])

    def scatter(g, b):
        return pltpu.make_async_copy(
            bufs[b], out_hbm.at[pl.ds(base + g * C, C)], sem_out[b])

    pltpu.sync_copy(idx_hbm.at[wid], idx_v)

    for g in range(K):
        gather(g, g).start()

    @pl.loop(0, NGRP)
    def _(go):
        for b in range(NBUF):
            g = go * NBUF + b

            @pl.when(g < NCH)
            def _():
                gp = g + K
                bp = (b + K) % NBUF

                @pl.when(gp < NCH)
                def _():
                    @pl.when(gp >= NBUF)
                    def _():
                        scatter(gp - NBUF, bp).wait()

                    gather(gp, bp).start()

                gather(g, b).wait()
                scatter(g, b).start()

    for j in range(NBUF):
        g_last = NCH - NBUF + j
        scatter(g_last, g_last % NBUF).wait()


def kernel(indices, table):
    flat = indices.reshape(-1).astype(jnp.int32).reshape(NW, NCH, C)
    out = _sc_gather(flat, table)
    return out.reshape(indices.shape + (D,))

# --- scband reference (transcript-rebuilt; emitter-appended) ---
"""Pipeline reference for scband-bigram-language-model-11544872091754 (READ-ONLY COPY).

The authoritative reference and input builder live on the scoring server;
editing this copy changes nothing except your own understanding.
"""

import jax, jax.numpy as jnp
import numpy as np

VOCAB = 8192
B, L = 4, 2048

def setup_inputs(seed: int = 0) -> dict:
    key = jax.random.key(seed)
    k_idx, k_tab = jax.random.split(key)
    indices = jax.random.randint(k_idx, (B, L), 0, VOCAB, dtype=jnp.int64 if jax.config.jax_enable_x64 else jnp.int32)
    table = jax.random.normal(k_tab, (VOCAB, VOCAB), dtype=jnp.float32)
    return {"indices": indices, "table": table}

def reference(indices, table):
    # nn.Embedding lookup: gather rows of the [vocab, vocab] table
    return jnp.take(table, indices, axis=0)  # [B, L, VOCAB]

if __name__ == "__main__":
    import jax
    _d = setup_inputs()
    print(jax.jit(kernel)(*tuple(_d.values())))

</pallas_src>

<mosaic_0001>
#map = affine_map<(d0, d1) -> (0, 0, 0)>
#map1 = affine_map<(d0, d1) -> (0, 0)>
module attributes {stable_mosaic.version = 14 : i64} {
  func.func @_sc_gather(%arg0: i32, %arg1: i32, %arg2: memref<32x64x4xi32, #tpu.memory_space<hbm>>, %arg3: memref<8192x8192xf32, #tpu.memory_space<hbm>>, %arg4: memref<8192x8192xf32, #tpu.memory_space<hbm>>, %arg5: memref<64x4xi32, #tpu.memory_space<vmem>>, %arg6: memref<4x8192xf32, #tpu.memory_space<vmem>>, %arg7: memref<4x8192xf32, #tpu.memory_space<vmem>>, %arg8: memref<4x8192xf32, #tpu.memory_space<vmem>>, %arg9: memref<!tpu.dma_semaphore, #tpu.memory_space<semaphore_mem>>, %arg10: memref<!tpu.dma_semaphore, #tpu.memory_space<semaphore_mem>>, %arg11: memref<!tpu.dma_semaphore, #tpu.memory_space<semaphore_mem>>, %arg12: memref<!tpu.dma_semaphore, #tpu.memory_space<semaphore_mem>>, %arg13: memref<!tpu.dma_semaphore, #tpu.memory_space<semaphore_mem>>, %arg14: memref<!tpu.dma_semaphore, #tpu.memory_space<semaphore_mem>>) attributes {dimension_semantics = [#tpu.dimension_semantics<core_parallel>, #tpu.dimension_semantics<subcore_parallel>], iteration_bounds = array<i64: 2, 16>, scalar_prefetch = 0 : i64, scratch_operands = 10 : i64, tpu.core_type = #tpu.core_type<sc_vector_subcore>, window_params = [{transform_indices = #map}, {transform_indices = #map1}, {transform_indices = #map1}]} {
    %mul3A = arith.constant 2 : i32
    %mul3A_0 = arith.muli %arg1, %mul3A : i32
    %add3A = arith.addi %mul3A_0, %arg0 : i32
    %mul3A_1 = arith.constant 256 : i32
    %mul3A_2 = arith.muli %add3A, %mul3A_1 : i32
    "tpu.region"() ({
      %run_scoped3A = tpu.sem_alloc : memref<!tpu.dma_semaphore, #tpu.memory_space<semaphore_mem>>
      %dma_start3A_30 = arith.constant 0 : i32
      %dma_start3A_31 = arith.constant 0 : i32
      %dma_start3A_32 = tpu.memref_slice %arg2[%add3A, %dma_start3A_30, %dma_start3A_31] : memref<32x64x4xi32, #tpu.memory_space<hbm>> -> memref<1x64x4xi32, #tpu.memory_space<hbm>>
      %dma_start3A_33 = tpu.memref_squeeze %dma_start3A_32 : memref<1x64x4xi32, #tpu.memory_space<hbm>> -> memref<64x4xi32, #tpu.memory_space<hbm>>
      %dma_start3A_34 = arith.constant 0 : i32
      %dma_start3A_35 = arith.constant 0 : i32
      %dma_start3A_36 = tpu.memref_slice %arg2[%add3A, %dma_start3A_34, %dma_start3A_35] : memref<32x64x4xi32, #tpu.memory_space<hbm>> -> memref<1x64x4xi32, #tpu.memory_space<hbm>>
      %dma_start3A_37 = tpu.memref_squeeze %dma_start3A_36 : memref<1x64x4xi32, #tpu.memory_space<hbm>> -> memref<64x4xi32, #tpu.memory_space<hbm>>
      tpu.enqueue_dma source(%dma_start3A_37 : memref<64x4xi32, #tpu.memory_space<hbm>>) target(%arg5 : memref<64x4xi32, #tpu.memory_space<vmem>>) target_semaphore(%run_scoped3A : memref<!tpu.dma_semaphore, #tpu.memory_space<semaphore_mem>>)
      %dma_wait3A_38 = arith.constant 0 : i32
      %dma_wait3A_39 = arith.constant 0 : i32
      %dma_wait3A_40 = tpu.memref_slice %arg2[%add3A, %dma_wait3A_38, %dma_wait3A_39] : memref<32x64x4xi32, #tpu.memory_space<hbm>> -> memref<1x64x4xi32, #tpu.memory_space<hbm>>
      %dma_wait3A_41 = tpu.memref_squeeze %dma_wait3A_40 : memref<1x64x4xi32, #tpu.memory_space<hbm>> -> memref<64x4xi32, #tpu.memory_space<hbm>>
      %dma_wait3A_42 = arith.constant 0 : i32
      %dma_wait3A_43 = arith.constant 0 : i32
      %dma_wait3A_44 = tpu.memref_slice %arg2[%add3A, %dma_wait3A_42, %dma_wait3A_43] : memref<32x64x4xi32, #tpu.memory_space<hbm>> -> memref<1x64x4xi32, #tpu.memory_space<hbm>>
      %dma_wait3A_45 = tpu.memref_squeeze %dma_wait3A_44 : memref<1x64x4xi32, #tpu.memory_space<hbm>> -> memref<64x4xi32, #tpu.memory_space<hbm>>
      tpu.wait_dma2 semaphore(%run_scoped3A : memref<!tpu.dma_semaphore, #tpu.memory_space<semaphore_mem>>) src(%dma_wait3A_45 : memref<64x4xi32, #tpu.memory_space<hbm>>) dst(%arg5 : memref<64x4xi32, #tpu.memory_space<vmem>>)
      tpu.yield
    }) : () -> ()
    %dma_start3A = arith.constant 0 : i32
    %dma_start3A_3 = arith.constant 0 : i32
    %dma_start3A_4 = tpu.memref_slice %arg5[%dma_start3A, %dma_start3A_3] : memref<64x4xi32, #tpu.memory_space<vmem>> -> memref<1x4xi32, #tpu.memory_space<vmem>>
    %dma_start3A_5 = tpu.memref_squeeze %dma_start3A_4 : memref<1x4xi32, #tpu.memory_space<vmem>> -> memref<4xi32, #tpu.memory_space<vmem>>
    %dma_start3A_6 = arith.constant 0 : i32
    %dma_start3A_7 = arith.constant 0 : i32
    %dma_start3A_8 = tpu.memref_slice %arg3[%dma_start3A_6, %dma_start3A_7] : memref<8192x8192xf32, #tpu.memory_space<hbm>> -> memref<8192x8192xf32, #tpu.memory_space<hbm>>
    tpu.enqueue_indirect_dma source(%dma_start3A_8 : memref<8192x8192xf32, #tpu.memory_space<hbm>>) target(%arg6 : memref<4x8192xf32, #tpu.memory_space<vmem>>) offsets(%dma_start3A_5 : memref<4xi32, #tpu.memory_space<vmem>>) semaphore(%arg9 : memref<!tpu.dma_semaphore, #tpu.memory_space<semaphore_mem>>)
    %scan3A = arith.constant 0 : i32
    %scan3A_9 = arith.constant 22 : i32
    %scan3A_10 = arith.addi %scan3A, %scan3A_9 : i32
    %scan3A_11 = arith.constant 1 : i32
    scf.for %scan3A_30 = %scan3A to %scan3A_10 step %scan3A_11  : i32 {
      %mul3A_31 = arith.constant 1 : i32
      %mul3A_32 = arith.muli %scan3A_30, %mul3A_31 : i32
      %add3A_33 = arith.constant 0 : i32
      %add3A_34 = arith.addi %add3A_33, %mul3A_32 : i32
      %mul3A_35 = arith.constant 3 : i32
      %mul3A_36 = arith.muli %add3A_34, %mul3A_35 : i32
      %add3A_37 = arith.constant 0 : i32
      %add3A_38 = arith.addi %mul3A_36, %add3A_37 : i32
      %lt3A = arith.constant 64 : i32
      %lt3A_39 = arith.cmpi slt, %add3A_38, %lt3A : i32
      %convert_element_type3A = arith.extui %lt3A_39 : i1 to i32
      %cond3A = arith.constant 0 : i32
      %cond3A_40 = arith.cmpi ne, %convert_element_type3A, %cond3A : i32
      scf.if %cond3A_40 {
        %add3A_59 = arith.constant 1 : i32
        %add3A_60 = arith.addi %add3A_38, %add3A_59 : i32
        %lt3A_61 = arith.constant 64 : i32
        %lt3A_62 = arith.cmpi slt, %add3A_60, %lt3A_61 : i32
        %convert_element_type3A_63 = arith.extui %lt3A_62 : i1 to i32
        %cond3A_64 = arith.constant 0 : i32
        %cond3A_65 = arith.cmpi ne, %convert_element_type3A_63, %cond3A_64 : i32
        scf.if %cond3A_65 {
          %ge3A = arith.constant 3 : i32
          %ge3A_79 = arith.cmpi sge, %add3A_60, %ge3A : i32
          %convert_element_type3A_80 = arith.extui %ge3A_79 : i1 to i32
          %cond3A_81 = arith.constant 0 : i32
          %cond3A_82 = arith.cmpi ne, %convert_element_type3A_80, %cond3A_81 : i32
          scf.if %cond3A_82 {
            %sub3A = arith.constant 3 : i32
            %sub3A_89 = arith.subi %add3A_60, %sub3A : i32
            %mul3A_90 = arith.constant 4 : i32
            %mul3A_91 = arith.muli %sub3A_89, %mul3A_90 : i32
            %add3A_92 = arith.addi %mul3A_2, %mul3A_91 : i32
            %dma_wait3A_93 = arith.constant 0 : i32
            %dma_wait3A_94 = tpu.memref_slice %arg4[%add3A_92, %dma_wait3A_93] : memref<8192x8192xf32, #tpu.memory_space<hbm>> -> memref<4x8192xf32, #tpu.memory_space<hbm>>
            %dma_wait3A_95 = arith.constant 0 : i32
            %dma_wait3A_96 = tpu.memref_slice %arg4[%add3A_92, %dma_wait3A_95] : memref<8192x8192xf32, #tpu.memory_space<hbm>> -> memref<4x8192xf32, #tpu.memory_space<hbm>>
            tpu.wait_dma2 semaphore(%arg13 : memref<!tpu.dma_semaphore, #tpu.memory_space<semaphore_mem>>) src(%arg7 : memref<4x8192xf32, #tpu.memory_space<vmem>>) dst(%dma_wait3A_96 : memref<4x8192xf32, #tpu.memory_space<hbm>>)
          } else {
          }
          %dma_start3A_83 = arith.constant 0 : i32
          %dma_start3A_84 = tpu.memref_slice %arg5[%add3A_60, %dma_start3A_83] : memref<64x4xi32, #tpu.memory_space<vmem>> -> memref<1x4xi32, #tpu.memory_space<vmem>>
          %dma_start3A_85 = tpu.memref_squeeze %dma_start3A_84 : memref<1x4xi32, #tpu.memory_space<vmem>> -> memref<4xi32, #tpu.memory_space<vmem>>
          %dma_start3A_86 = arith.constant 0 : i32
          %dma_start3A_87 = arith.constant 0 : i32
          %dma_start3A_88 = tpu.memref_slice %arg3[%dma_start3A_86, %dma_start3A_87] : memref<8192x8192xf32, #tpu.memory_space<hbm>> -> memref<8192x8192xf32, #tpu.memory_space<hbm>>
          tpu.enqueue_indirect_dma source(%dma_start3A_88 : memref<8192x8192xf32, #tpu.memory_space<hbm>>) target(%arg7 : memref<4x8192xf32, #tpu.memory_space<vmem>>) offsets(%dma_start3A_85 : memref<4xi32, #tpu.memory_space<vmem>>) semaphore(%arg10 : memref<!tpu.dma_semaphore, #tpu.memory_space<semaphore_mem>>)
        } else {
        }
        %dma_wait3A_66 = arith.constant 0 : i32
        %dma_wait3A_67 = tpu.memref_slice %arg5[%add3A_38, %dma_wait3A_66] : memref<64x4xi32, #tpu.memory_space<vmem>> -> memref<1x4xi32, #tpu.memory_space<vmem>>
        %dma_wait3A_68 = tpu.memref_squeeze %dma_wait3A_67 : memref<1x4xi32, #tpu.memory_space<vmem>> -> memref<4xi32, #tpu.memory_space<vmem>>
        %dma_wait3A_69 = arith.constant 0 : i32
        %dma_wait3A_70 = arith.constant 0 : i32
        %dma_wait3A_71 = tpu.memref_slice %arg3[%dma_wait3A_69, %dma_wait3A_70] : memref<8192x8192xf32, #tpu.memory_space<hbm>> -> memref<8192x8192xf32, #tpu.memory_space<hbm>>
        tpu.wait_indirect_dma semaphore(%arg9 : memref<!tpu.dma_semaphore, #tpu.memory_space<semaphore_mem>>) src(%dma_wait3A_71 : memref<8192x8192xf32, #tpu.memory_space<hbm>>) dst(%arg6 : memref<4x8192xf32, #tpu.memory_space<vmem>>)
        %mul3A_72 = arith.constant 4 : i32
        %mul3A_73 = arith.muli %add3A_38, %mul3A_72 : i32
        %add3A_74 = arith.addi %mul3A_2, %mul3A_73 : i32
        %dma_start3A_75 = arith.constant 0 : i32
        %dma_start3A_76 = tpu.memref_slice %arg4[%add3A_74, %dma_start3A_75] : memref<8192x8192xf32, #tpu.memory_space<hbm>> -> memref<4x8192xf32, #tpu.memory_space<hbm>>
        %dma_start3A_77 = arith.constant 0 : i32
        %dma_start3A_78 = tpu.memref_slice %arg4[%add3A_74, %dma_start3A_77] : memref<8192x8192xf32, #tpu.memory_space<hbm>> -> memref<4x8192xf32, #tpu.memory_space<hbm>>
        tpu.enqueue_dma source(%arg6 : memref<4x8192xf32, #tpu.memory_space<vmem>>) target(%dma_start3A_78 : memref<4x8192xf32, #tpu.memory_space<hbm>>) target_semaphore(%arg12 : memref<!tpu.dma_semaphore, #tpu.memory_space<semaphore_mem>>)
      } else {
      }
      %mul3A_41 = arith.constant 3 : i32
      %mul3A_42 = arith.muli %add3A_34, %mul3A_41 : i32
      %add3A_43 = arith.constant 1 : i32
      %add3A_44 = arith.addi %mul3A_42, %add3A_43 : i32
      %lt3A_45 = arith.constant 64 : i32
      %lt3A_46 = arith.cmpi slt, %add3A_44, %lt3A_45 : i32
      %convert_element_type3A_47 = arith.extui %lt3A_46 : i1 to i32
      %cond3A_48 = arith.constant 0 : i32
      %cond3A_49 = arith.cmpi ne, %convert_element_type3A_47, %cond3A_48 : i32
      scf.if %cond3A_49 {
        %add3A_59 = arith.constant 1 : i32
        %add3A_60 = arith.addi %add3A_44, %add3A_59 : i32
        %lt3A_61 = arith.constant 64 : i32
        %lt3A_62 = arith.cmpi slt, %add3A_60, %lt3A_61 : i32
        %convert_element_type3A_63 = arith.extui %lt3A_62 : i1 to i32
        %cond3A_64 = arith.constant 0 : i32
        %cond3A_65 = arith.cmpi ne, %convert_element_type3A_63, %cond3A_64 : i32
        scf.if %cond3A_65 {
          %ge3A = arith.constant 3 : i32
          %ge3A_79 = arith.cmpi sge, %add3A_60, %ge3A : i32
          %convert_element_type3A_80 = arith.extui %ge3A_79 : i1 to i32
          %cond3A_81 = arith.constant 0 : i32
          %cond3A_82 = arith.cmpi ne, %convert_element_type3A_80, %cond3A_81 : i32
          scf.if %cond3A_82 {
            %sub3A = arith.constant 3 : i32
            %sub3A_89 = arith.subi %add3A_60, %sub3A : i32
            %mul3A_90 = arith.constant 4 : i32
            %mul3A_91 = arith.muli %sub3A_89, %mul3A_90 : i32
            %add3A_92 = arith.addi %mul3A_2, %mul3A_91 : i32
            %dma_wait3A_93 = arith.constant 0 : i32
            %dma_wait3A_94 = tpu.memref_slice %arg4[%add3A_92, %dma_wait3A_93] : memref<8192x8192xf32, #tpu.memory_space<hbm>> -> memref<4x8192xf32, #tpu.memory_space<hbm>>
            %dma_wait3A_95 = arith.constant 0 : i32
            %dma_wait3A_96 = tpu.memref_slice %arg4[%add3A_92, %dma_wait3A_95] : memref<8192x8192xf32, #tpu.memory_space<hbm>> -> memref<4x8192xf32, #tpu.memory_space<hbm>>
            tpu.wait_dma2 semaphore(%arg14 : memref<!tpu.dma_semaphore, #tpu.memory_space<semaphore_mem>>) src(%arg8 : memref<4x8192xf32, #tpu.memory_space<vmem>>) dst(%dma_wait3A_96 : memref<4x8192xf32, #tpu.memory_space<hbm>>)
          } else {
          }
          %dma_start3A_83 = arith.constant 0 : i32
          %dma_start3A_84 = tpu.memref_slice %arg5[%add3A_60, %dma_start3A_83] : memref<64x4xi32, #tpu.memory_space<vmem>> -> memref<1x4xi32, #tpu.memory_space<vmem>>
          %dma_start3A_85 = tpu.memref_squeeze %dma_start3A_84 : memref<1x4xi32, #tpu.memory_space<vmem>> -> memref<4xi32, #tpu.memory_space<vmem>>
          %dma_start3A_86 = arith.constant 0 : i32
          %dma_start3A_87 = arith.constant 0 : i32
          %dma_start3A_88 = tpu.memref_slice %arg3[%dma_start3A_86, %dma_start3A_87] : memref<8192x8192xf32, #tpu.memory_space<hbm>> -> memref<8192x8192xf32, #tpu.memory_space<hbm>>
          tpu.enqueue_indirect_dma source(%dma_start3A_88 : memref<8192x8192xf32, #tpu.memory_space<hbm>>) target(%arg8 : memref<4x8192xf32, #tpu.memory_space<vmem>>) offsets(%dma_start3A_85 : memref<4xi32, #tpu.memory_space<vmem>>) semaphore(%arg11 : memref<!tpu.dma_semaphore, #tpu.memory_space<semaphore_mem>>)
        } else {
        }
        %dma_wait3A_66 = arith.constant 0 : i32
        %dma_wait3A_67 = tpu.memref_slice %arg5[%add3A_44, %dma_wait3A_66] : memref<64x4xi32, #tpu.memory_space<vmem>> -> memref<1x4xi32, #tpu.memory_space<vmem>>
        %dma_wait3A_68 = tpu.memref_squeeze %dma_wait3A_67 : memref<1x4xi32, #tpu.memory_space<vmem>> -> memref<4xi32, #tpu.memory_space<vmem>>
        %dma_wait3A_69 = arith.constant 0 : i32
        %dma_wait3A_70 = arith.constant 0 : i32
        %dma_wait3A_71 = tpu.memref_slice %arg3[%dma_wait3A_69, %dma_wait3A_70] : memref<8192x8192xf32, #tpu.memory_space<hbm>> -> memref<8192x8192xf32, #tpu.memory_space<hbm>>
        tpu.wait_indirect_dma semaphore(%arg10 : memref<!tpu.dma_semaphore, #tpu.memory_space<semaphore_mem>>) src(%dma_wait3A_71 : memref<8192x8192xf32, #tpu.memory_space<hbm>>) dst(%arg7 : memref<4x8192xf32, #tpu.memory_space<vmem>>)
        %mul3A_72 = arith.constant 4 : i32
        %mul3A_73 = arith.muli %add3A_44, %mul3A_72 : i32
        %add3A_74 = arith.addi %mul3A_2, %mul3A_73 : i32
        %dma_start3A_75 = arith.constant 0 : i32
        %dma_start3A_76 = tpu.memref_slice %arg4[%add3A_74, %dma_start3A_75] : memref<8192x8192xf32, #tpu.memory_space<hbm>> -> memref<4x8192xf32, #tpu.memory_space<hbm>>
        %dma_start3A_77 = arith.constant 0 : i32
        %dma_start3A_78 = tpu.memref_slice %arg4[%add3A_74, %dma_start3A_77] : memref<8192x8192xf32, #tpu.memory_space<hbm>> -> memref<4x8192xf32, #tpu.memory_space<hbm>>
        tpu.enqueue_dma source(%arg7 : memref<4x8192xf32, #tpu.memory_space<vmem>>) target(%dma_start3A_78 : memref<4x8192xf32, #tpu.memory_space<hbm>>) target_semaphore(%arg13 : memref<!tpu.dma_semaphore, #tpu.memory_space<semaphore_mem>>)
      } else {
      }
      %mul3A_50 = arith.constant 3 : i32
      %mul3A_51 = arith.muli %add3A_34, %mul3A_50 : i32
      %add3A_52 = arith.constant 2 : i32
      %add3A_53 = arith.addi %mul3A_51, %add3A_52 : i32
      %lt3A_54 = arith.constant 64 : i32
      %lt3A_55 = arith.cmpi slt, %add3A_53, %lt3A_54 : i32
      %convert_element_type3A_56 = arith.extui %lt3A_55 : i1 to i32
      %cond3A_57 = arith.constant 0 : i32
      %cond3A_58 = arith.cmpi ne, %convert_element_type3A_56, %cond3A_57 : i32
      scf.if %cond3A_58 {
        %add3A_59 = arith.constant 1 : i32
        %add3A_60 = arith.addi %add3A_53, %add3A_59 : i32
        %lt3A_61 = arith.constant 64 : i32
        %lt3A_62 = arith.cmpi slt, %add3A_60, %lt3A_61 : i32
        %convert_element_type3A_63 = arith.extui %lt3A_62 : i1 to i32
        %cond3A_64 = arith.constant 0 : i32
        %cond3A_65 = arith.cmpi ne, %convert_element_type3A_63, %cond3A_64 : i32
        scf.if %cond3A_65 {
          %ge3A = arith.constant 3 : i32
          %ge3A_79 = arith.cmpi sge, %add3A_60, %ge3A : i32
          %convert_element_type3A_80 = arith.extui %ge3A_79 : i1 to i32
          %cond3A_81 = arith.constant 0 : i32
          %cond3A_82 = arith.cmpi ne, %convert_element_type3A_80, %cond3A_81 : i32
          scf.if %cond3A_82 {
            %sub3A = arith.constant 3 : i32
            %sub3A_89 = arith.subi %add3A_60, %sub3A : i32
            %mul3A_90 = arith.constant 4 : i32
            %mul3A_91 = arith.muli %sub3A_89, %mul3A_90 : i32
            %add3A_92 = arith.addi %mul3A_2, %mul3A_91 : i32
            %dma_wait3A_93 = arith.constant 0 : i32
            %dma_wait3A_94 = tpu.memref_slice %arg4[%add3A_92, %dma_wait3A_93] : memref<8192x8192xf32, #tpu.memory_space<hbm>> -> memref<4x8192xf32, #tpu.memory_space<hbm>>
            %dma_wait3A_95 = arith.constant 0 : i32
            %dma_wait3A_96 = tpu.memref_slice %arg4[%add3A_92, %dma_wait3A_95] : memref<8192x8192xf32, #tpu.memory_space<hbm>> -> memref<4x8192xf32, #tpu.memory_space<hbm>>
            tpu.wait_dma2 semaphore(%arg12 : memref<!tpu.dma_semaphore, #tpu.memory_space<semaphore_mem>>) src(%arg6 : memref<4x8192xf32, #tpu.memory_space<vmem>>) dst(%dma_wait3A_96 : memref<4x8192xf32, #tpu.memory_space<hbm>>)
          } else {
          }
          %dma_start3A_83 = arith.constant 0 : i32
          %dma_start3A_84 = tpu.memref_slice %arg5[%add3A_60, %dma_start3A_83] : memref<64x4xi32, #tpu.memory_space<vmem>> -> memref<1x4xi32, #tpu.memory_space<vmem>>
          %dma_start3A_85 = tpu.memref_squeeze %dma_start3A_84 : memref<1x4xi32, #tpu.memory_space<vmem>> -> memref<4xi32, #tpu.memory_space<vmem>>
          %dma_start3A_86 = arith.constant 0 : i32
          %dma_start3A_87 = arith.constant 0 : i32
          %dma_start3A_88 = tpu.memref_slice %arg3[%dma_start3A_86, %dma_start3A_87] : memref<8192x8192xf32, #tpu.memory_space<hbm>> -> memref<8192x8192xf32, #tpu.memory_space<hbm>>
          tpu.enqueue_indirect_dma source(%dma_start3A_88 : memref<8192x8192xf32, #tpu.memory_space<hbm>>) target(%arg6 : memref<4x8192xf32, #tpu.memory_space<vmem>>) offsets(%dma_start3A_85 : memref<4xi32, #tpu.memory_space<vmem>>) semaphore(%arg9 : memref<!tpu.dma_semaphore, #tpu.memory_space<semaphore_mem>>)
        } else {
        }
        %dma_wait3A_66 = arith.constant 0 : i32
        %dma_wait3A_67 = tpu.memref_slice %arg5[%add3A_53, %dma_wait3A_66] : memref<64x4xi32, #tpu.memory_space<vmem>> -> memref<1x4xi32, #tpu.memory_space<vmem>>
        %dma_wait3A_68 = tpu.memref_squeeze %dma_wait3A_67 : memref<1x4xi32, #tpu.memory_space<vmem>> -> memref<4xi32, #tpu.memory_space<vmem>>
        %dma_wait3A_69 = arith.constant 0 : i32
        %dma_wait3A_70 = arith.constant 0 : i32
        %dma_wait3A_71 = tpu.memref_slice %arg3[%dma_wait3A_69, %dma_wait3A_70] : memref<8192x8192xf32, #tpu.memory_space<hbm>> -> memref<8192x8192xf32, #tpu.memory_space<hbm>>
        tpu.wait_indirect_dma semaphore(%arg11 : memref<!tpu.dma_semaphore, #tpu.memory_space<semaphore_mem>>) src(%dma_wait3A_71 : memref<8192x8192xf32, #tpu.memory_space<hbm>>) dst(%arg8 : memref<4x8192xf32, #tpu.memory_space<vmem>>)
        %mul3A_72 = arith.constant 4 : i32
        %mul3A_73 = arith.muli %add3A_53, %mul3A_72 : i32
        %add3A_74 = arith.addi %mul3A_2, %mul3A_73 : i32
        %dma_start3A_75 = arith.constant 0 : i32
        %dma_start3A_76 = tpu.memref_slice %arg4[%add3A_74, %dma_start3A_75] : memref<8192x8192xf32, #tpu.memory_space<hbm>> -> memref<4x8192xf32, #tpu.memory_space<hbm>>
        %dma_start3A_77 = arith.constant 0 : i32
        %dma_start3A_78 = tpu.memref_slice %arg4[%add3A_74, %dma_start3A_77] : memref<8192x8192xf32, #tpu.memory_space<hbm>> -> memref<4x8192xf32, #tpu.memory_space<hbm>>
        tpu.enqueue_dma source(%arg8 : memref<4x8192xf32, #tpu.memory_space<vmem>>) target(%dma_start3A_78 : memref<4x8192xf32, #tpu.memory_space<hbm>>) target_semaphore(%arg14 : memref<!tpu.dma_semaphore, #tpu.memory_space<semaphore_mem>>)
      } else {
      }
    }
    %scan3A_12 = arith.constant 22 : i32
    %add3A_13 = arith.constant 244 : i32
    %add3A_14 = arith.addi %mul3A_2, %add3A_13 : i32
    %dma_wait3A = arith.constant 0 : i32
    %dma_wait3A_15 = tpu.memref_slice %arg4[%add3A_14, %dma_wait3A] : memref<8192x8192xf32, #tpu.memory_space<hbm>> -> memref<4x8192xf32, #tpu.memory_space<hbm>>
    %dma_wait3A_16 = arith.constant 0 : i32
    %dma_wait3A_17 = tpu.memref_slice %arg4[%add3A_14, %dma_wait3A_16] : memref<8192x8192xf32, #tpu.memory_space<hbm>> -> memref<4x8192xf32, #tpu.memory_space<hbm>>
    tpu.wait_dma2 semaphore(%arg13 : memref<!tpu.dma_semaphore, #tpu.memory_space<semaphore_mem>>) src(%arg7 : memref<4x8192xf32, #tpu.memory_space<vmem>>) dst(%dma_wait3A_17 : memref<4x8192xf32, #tpu.memory_space<hbm>>)
    %add3A_18 = arith.constant 248 : i32
    %add3A_19 = arith.addi %mul3A_2, %add3A_18 : i32
    %dma_wait3A_20 = arith.constant 0 : i32
    %dma_wait3A_21 = tpu.memref_slice %arg4[%add3A_19, %dma_wait3A_20] : memref<8192x8192xf32, #tpu.memory_space<hbm>> -> memref<4x8192xf32, #tpu.memory_space<hbm>>
    %dma_wait3A_22 = arith.constant 0 : i32
    %dma_wait3A_23 = tpu.memref_slice %arg4[%add3A_19, %dma_wait3A_22] : memref<8192x8192xf32, #tpu.memory_space<hbm>> -> memref<4x8192xf32, #tpu.memory_space<hbm>>
    tpu.wait_dma2 semaphore(%arg14 : memref<!tpu.dma_semaphore, #tpu.memory_space<semaphore_mem>>) src(%arg8 : memref<4x8192xf32, #tpu.memory_space<vmem>>) dst(%dma_wait3A_23 : memref<4x8192xf32, #tpu.memory_space<hbm>>)
    %add3A_24 = arith.constant 252 : i32
    %add3A_25 = arith.addi %mul3A_2, %add3A_24 : i32
    %dma_wait3A_26 = arith.constant 0 : i32
    %dma_wait3A_27 = tpu.memref_slice %arg4[%add3A_25, %dma_wait3A_26] : memref<8192x8192xf32, #tpu.memory_space<hbm>> -> memref<4x8192xf32, #tpu.memory_space<hbm>>
    %dma_wait3A_28 = arith.constant 0 : i32
    %dma_wait3A_29 = tpu.memref_slice %arg4[%add3A_25, %dma_wait3A_28] : memref<8192x8192xf32, #tpu.memory_space<hbm>> -> memref<4x8192xf32, #tpu.memory_space<hbm>>
    tpu.wait_dma2 semaphore(%arg12 : memref<!tpu.dma_semaphore, #tpu.memory_space<semaphore_mem>>) src(%arg6 : memref<4x8192xf32, #tpu.memory_space<vmem>>) dst(%dma_wait3A_29 : memref<4x8192xf32, #tpu.memory_space<hbm>>)
    return
  }
}

</mosaic_0001>

<sc_bundles>
// kernel: kernel.3.cloned.1.call-start
scs
__scs_entry_jumppad:
0x0: {  	(pc) =	sbr.rel $0x88, $3  }
0x1: {  	(tag) =	ssettag $0x0;
	lr =	simm.s32 $0x1  }
0x2: {  	[smem:$0x3F9F] =	sst lr;
	_ =	strace $0xD0000000  }
0x3: {  	_ = 	snop  }
0x4: {  	_ = 	snop  }
0x5: {  	_ = 	snop  }
0x6: {  	_ = 	snop  }
0x7: {  	_ = 	snop  }
__scs_overlays_trampoline_lowered:
0x8: {  	[smem:$0x3FAE] =	sst s0  }
0x9: {  	[smem:$0x3FAF] =	sst s1  }
0xa: {  	[smem:$0x3FB0] =	sst s2  }
0xb: {  	[smem:$0x3FB1] =	sst s3  }
0xc: {  	[smem:$0x3FB2] =	sst s4  }
0xd: {  	[smem:$0x3FB3] =	sst s5  }
0xe: {  	[smem:$0x3FB4] =	sst s6  }
0xf: {  	[smem:$0x3FB5] =	sst s7  }
0x10: {  	[smem:$0x3FB6] =	sst s8  }
0x11: {  	[smem:$0x3FB7] =	sst s9;
	s0 =	simm.s32 @!p0 $0x0  }
0x12: {  	s1 =	sld [smem:$0x3F9D];
	s0 =	simm.s32 @p0 $0x1  }
0x13: {  	[smem:$0x3FB8] =	sst s0;
	s0 =	simm.s32 @!p1 $0x0  }
0x14: {  	s2 =	sld [smem:$0x3F9C];
	s0 =	simm.s32 @p1 $0x1  }
0x15: {  	[smem:$0x3FB9] =	sst s0;
	s0 =	simm.s32 @!p2 $0x0  }
0x16: {  	s3 =	sld [smem:$0x3FDB];
	s0 =	simm.s32 @p2 $0x1  }
0x17: {  	s4 =	simm.s32 $0x1BF5;
	[smem:$0x3FBB] =	sst s0  }
0x18: {  	s0 =	sld [smem:$0x3F9E];
	_ =	swait.ge [sflag:s4], $0x0  }
0x19: {  	s7 =	sld [smem:$0x3F9F]  }
0x1a: {  	s8 =	sadd.s32 $0xFFFFE003, lr  }
0x1b: {  	s9 =	sadd.s32 $0xFFFFFEF7, lr;
	s5 =	simm.s32 $0xFFFFFFFF;
	p2 =	slt.u32 s8, $0xFFFFF086  }
0x1c: {  	p1 =	slt.u32 s9, $0xF7A;
	s5 =	simm.s32 @!p2 $0x0  }
0x1d: {  	s5 =	simm.s32 @p1 $0x1;
	p0 =	seq.s32 s7, s2  }
0x1e: {  	s7 =	smul.u32 @!p0 $0xF7A, s2;
	p2 =	seq.s32 @!p0 s5, $0x0  }
0x1f: {  	s9 =	smul.u32 $0xF7A, s1;
	s8 =	simm.s32 @!p0 $0x1BF5;
	p2 =	por !p2, p0  }
0x20: {  	[sflag:s8] =	ssyncset.s32 @!p0 $0xFFFFF086;
	s6 =	sadd.s32 @!p0 s3, s7;
	s7 =	simm.s32 @!p0 $0x108  }
0x21: {  	s3 =	sadd.s32 s3, s9;
	s6 =	sadd.s32 @!p0 $0x88, s6;
	s7 =	simm.s32 @p2 $0x1082  }
0x22: {  	[simem:s7], [sflag:s8] =	dma.local @!p0 [hbm:s6], $0xF7A  }
0x23: {  	s9 =	sor.u32 $0xD0000000, s2;
	s6 =	simm.s32 $0x108;
	_ =	swait.ge @!p0 [sflag:s8], $0x0  }
0x24: {  	s3 =	sadd.s32 $0x88, s3;
	s6 =	simm.s32 @!p1 $0x1082;
	[sflag:s4] =	ssyncset.s32 $0xFFFFF086  }
0x25: {  	[simem:s6], [sflag:s4] =	dma.local [hbm:s3], $0xF7A  }
0x26: {  	[smem:$0x3F9F] =	sst s1;
	(tag) =	ssettag s2;
	_ =	strace s9  }
0x27: {  	s1 =	sld [smem:$0x3FAF]  }
0x28: {  	s2 =	sld [smem:$0x3FB0]  }
0x29: {  	s4 =	sld [smem:$0x3FB2]  }
0x2a: {  	p0 =	seq.s32 s5, $0x0;
	s5 =	sld [smem:$0x3FB3]  }
0x2b: {  	s6 =	sld [smem:$0x3FB4]  }
0x2c: {  	s7 =	sld [smem:$0x3FB5]  }
0x2d: {  	s3 =	simm.s32 $0x108;
	s8 =	sld [smem:$0x3FB6]  }
0x2e: {  	s3 =	simm.s32 @!p0 $0x1082;
	s9 =	sld [smem:$0x3FB7]  }
0x2f: {  	lr =	sadd.s32 s0, s3;
	s0 =	sld [smem:$0x3FAE]  }
0x30: {  	s3 =	sld [smem:$0x3FB1]  }
0x31: {  	[smem:$0x3FBA] =	sst s10  }
0x32: {  	s10 =	sld [smem:$0x3FB8];
	_ =	sdelay $0x3  }
0x33: {  	p0 =	seq.s32 s10, $0x1;
	s10 =	sld [smem:$0x3FBA];
	_ =	sdelay $0x3  }
0x34: {  	[smem:$0x3FBA] =	sst s10  }
0x35: {  	s10 =	sld [smem:$0x3FB9];
	_ =	sdelay $0x3  }
0x36: {  	p1 =	seq.s32 s10, $0x1;
	s10 =	sld [smem:$0x3FBA];
	_ =	sdelay $0x3  }
0x37: {  	[smem:$0x3FBA] =	sst s10  }
0x38: {  	s10 =	sld [smem:$0x3FBB]  }
0x39: {  	_ = 	snop;
	(pc) =	sbr.ind lr, $3  }
0x3a: {  	_ = 	snop  }
0x3b: {  	_ = 	snop  }
0x3c: {  	p2 =	seq.s32 s10, $0x1;
	s10 =	sld [smem:$0x3FBA]  }
0x3d: {  	_ =	shalt  }
0x3e: {  	_ =	shalt  }
0x3f: {  	_ =	shalt  }
0x40: {  	_ =	shalt  }
0x41: {  	_ =	shalt  }
0x42: {  	_ =	shalt  }
0x43: {  	_ =	shalt  }
0x44: {  	_ =	shalt  }
0x45: {  	_ =	shalt  }
0x46: {  	_ =	shalt  }
0x47: {  	_ =	shalt  }
0x48: {  	_ =	shalt  }
0x49: {  	_ =	shalt  }
0x4a: {  	_ =	shalt  }
0x4b: {  	_ =	shalt  }
0x4c: {  	_ =	shalt  }
0x4d: {  	_ =	shalt  }
0x4e: {  	_ =	shalt  }
0x4f: {  	_ =	shalt  }
0x50: {  	_ =	shalt  }
0x51: {  	_ =	shalt  }
0x52: {  	_ =	shalt  }
0x53: {  	_ =	shalt  }
0x54: {  	_ =	shalt  }
0x55: {  	_ =	shalt  }
0x56: {  	_ =	shalt  }
0x57: {  	_ =	shalt  }
0x58: {  	_ =	shalt  }
0x59: {  	_ =	shalt  }
0x5a: {  	_ =	shalt  }
0x5b: {  	_ =	shalt  }
0x5c: {  	_ =	shalt  }
0x5d: {  	_ =	shalt  }
0x5e: {  	_ =	shalt  }
0x5f: {  	_ =	shalt  }
0x60: {  	_ =	shalt  }
0x61: {  	_ =	shalt  }
0x62: {  	_ =	shalt  }
0x63: {  	_ =	shalt  }
0x64: {  	_ =	shalt  }
0x65: {  	_ =	shalt  }
0x66: {  	_ =	shalt  }
0x67: {  	_ =	shalt  }
0x68: {  	_ =	shalt  }
0x69: {  	_ =	shalt  }
0x6a: {  	_ =	shalt  }
0x6b: {  	_ =	shalt  }
0x6c: {  	_ =	shalt  }
0x6d: {  	_ =	shalt  }
0x6e: {  	_ =	shalt  }
0x6f: {  	_ =	shalt  }
0x70: {  	_ =	shalt  }
0x71: {  	_ =	shalt  }
0x72: {  	_ =	shalt  }
0x73: {  	_ =	shalt  }
0x74: {  	_ =	shalt  }
0x75: {  	_ =	shalt  }
0x76: {  	_ =	shalt  }
0x77: {  	_ =	shalt  }
0x78: {  	_ =	shalt  }
0x79: {  	_ =	shalt  }
0x7a: {  	_ =	shalt  }
0x7b: {  	_ =	shalt  }
0x7c: {  	_ =	shalt  }
0x7d: {  	_ =	shalt  }
0x7e: {  	_ =	shalt  }
0x7f: {  	_ =	shalt  }
0x80: {  	_ =	shalt  }
0x81: {  	_ =	shalt  }
0x82: {  	_ =	shalt  }
0x83: {  	_ =	shalt  }
0x84: {  	_ =	shalt  }
0x85: {  	_ =	shalt  }
0x86: {  	_ =	shalt  }
0x87: {  	_ =	shalt  }
.Lfunc_end0:
.L_simem_size_0:
called_computation_lowered:
.L_overlay_start_0:
0x88: {  	s2 =	sld [smem:$0x3FD9]  }
0x89: {  	s3 =	sld [smem:$0x3FFE];
	_ =	sdelay $0x1  }
0x8a: {  	s1 =	srdreg.scid  }
0x8b: {  	s0 =	sand.u32 $0x1, s1  }
0x8c: {  	s17 =	sshll.u32 s0, $0xA;
	s2 =	sadd.s32 s3, s2  }
0x8d: {  	s2 =	sadd.s32 s2, s17  }
0x8e: {  	[smem:$0x3FC6] =	sst s2  }
0x8f: {  	_ = 	snop  }
0x90: {  	s2 =	sld [smem:$0x3FC8]  }
0x91: {  	s18 =	sld [smem:$0x3FD0];
	(tm) =	ssettm $0x1  }
0x92: {  	s4 =	sld [smem:$0x3FFB];
	_ =	sdelay $0x3  }
0x93: {  	_ =	strace s4  }
0x94: {  	s4 =	sld [smem:$0x3FFC];
	_ =	sdelay $0x3  }
0x95: {  	_ =	strace s4  }
0x96: {  	s4 =	sld [smem:$0x3FFD];
	_ =	sdelay $0x3  }
0x97: {  	_ =	strace s4  }
0x98: {  	_ =	strace $0x8FFFFFFF  }
0x99: {  	s19 =	sld [smem:$0x3FDB];
	_ =	sdelay $0x1  }
0x9a: {  	s5 =	simm.s32 $_scs_section_size  }
0x9b: {  	s6 =	simm.s32 $_size__tile_overlayer_lowered;
	s7 =	simm.s32 $_tile_overlayer_lowered  }
0x9c: {  	s22 =	simm.s32 $0x1BFF;
	s21 =	sshll.u32 s7, $0x1;
	s4 =	sadd.s32 s5, s19  }
0x9d: {  	s8 =	simm.s32 $0x0;
	s20 =	sshll.u32 s6, $0x1;
	s6 =	sadd.s32 s21, s4  }
0x9e: {  	[timem:s8], [sflag:s22] =	dma.local [hbm:s6], s20  }
0x9f: {  	_ =	swait.ge [sflag:s22], s20  }
0xa0: {  	s5 =	ssub.s32 $0x0, s20;
	[sflag:s22] =	ssyncset.done $0x0  }
0xa1: {  	[sflag:s22] =	ssyncadd.s32 s5;
	_ =	sdelay $0x1  }
0xa2: {  	s23 =	simm.s32 $0x1B8B  }
0xa3: {  	_ =	swait.ge [sflag:s23], $0x1  }
0xa4: {  	[sflag:s23] =	ssyncset.done $0x0  }
0xa5: {  	s25 =	simm.s32 $0x1B8E;
	s24 =	sld [smem:$0x3FFE];
	[sflag:s23] =	ssyncadd.s32 $0xFFFFFFFF  }
0xa6: {  	s26 =	simm.s32 $execute0_lowered;
	[smem:$0x3FD2] =	sst s25  }
0xa7: {  	s6 =	sshll.u32 s26, $0x1;
	_ =	strace $0x80000046;
	[dreg:$0x1] =	wrdreg $0xFFFFFFFF  }
0xa8: {  	s28 =	simm.s32 $_size_execute0_lowered;
	s4 =	sadd.s32 s4, s6;
	[dreg:$0x0] =	wrdreg $0x0  }
0xa9: {  	s6 =	sshll.u32 s28, $0x1;
	[dreg:$0x2] =	wrdreg s4  }
0xaa: {  	[dreg:$0x3] =	wrdreg s6  }
0xab: {  	[dreg:$0x4] =	wrdreg $0xC0  }
0xac: {  	_ =	task [dreg:s8], $0x5FFFF  }
0xad: {  	[dreg:$0x1] =	wrdreg $0xFFFFFFFF  }
0xae: {  	[dreg:$0x0] =	wrdreg $0x60  }
0xaf: {  	[dreg:$0x2] =	wrdreg s24  }
0xb0: {  	[dreg:$0x3] =	wrdreg s2  }
0xb1: {  	[dreg:$0x4] =	wrdreg s18  }
0xb2: {  	[dreg:$0x5] =	wrdreg $0x9  }
0xb3: {  	_ =	task.clear_ibuf [dreg:s8], $0x6FFFF;
	_ =	strace $0x90000046  }
0xb4: {  	s29 =	simm.s32 $0x9;
	_ =	strace $0x80000048  }
0xb5: {  	_ =	swait.ge [sflag:s29], $0x1  }
0xb6: {  	[sflag:s29] =	ssyncadd.s32 $0xFFFFFFFF  }
0xb7: {  	_ =	strace $0x90000048  }
0xb8: {  	_ =	sfence  }
0xb9: {  	s30 =	sld [smem:$0x0];
	_ =	sdelay $0x2  }
0xba: {  	s31 =	sshll.u32 s1, $0xD;
	s1 =	sshrl.u32 s1, $0x2  }
0xbb: {  	s3 =	sand.u32 $0x4000, s31;
	s1 =	sadd.s32 s1, s30  }
0xbc: {  	s0 =	sor.u32 s3, s0;
	s1 =	sshll.u32 s1, $0x11  }
0xbd: {  	s0 =	sor.u32 s1, s0  }
0xbe: {  	s0 =	sadd.s32 $0x8F2B, s0  }
0xbf: {  	[sflag:s0] =	ssyncadd.remote.s32 $0x1  }
0xc0: {  	_ =	sfence.sel $0xFFFF  }
0xc1: {  	[dreg:$0x0] =	wrdreg $0xFFFFFFFF;
	(pc) =	sbr.abs _section_cstart, $3  }
0xc2: {  	[dreg:$0x1] =	wrdreg $0xFFFFFFFF  }
0xc3: {  	_ =	task.clear_ibuf [dreg:s8], $0x2FFFF;
	_ =	strace $0x9FFFFFFF  }
0xc4: {  	(tm) =	ssettm $0x7FFFFFFF  }
0xc5: {  	_ =	shalt  }
tec
execute0_lowered:
.L_overlay_start_1:
0x0: {  	(tag) =	ssettag $0x1  }
0x1: {  	s0 =	rddreg [dreg:$0x0]  }
0x2: {  	s1 =	rddreg [dreg:$0x1];
	s2 =	srdreg.scid  }
0x3: {  	s4 =	simm.s32 $0x0;
	s21 =	stileid.u32;
	s31 =	simm.s32 $0x2000  }
0x4: {  	s30 =	simm.s32 $0x200;
	s22 =	simm.s32 $0x12000;
	s23 =	simm.s32 $0x400  }
0x5: {  	s2 =	sand.u32 $0x1, s2;
	s3 =	sshll.u32 s21, $0xB;
	[smem:$0x7FF] =	sst s4  }
0x6: {  	s7 =	sadd.s32 $0x400, s1;
	s8 =	sadd.s32 $0x600, s1;
	s9 =	sadd.s32 $0x800, s1  }
0x7: {  	s10 =	sadd.s32 $0xA00, s1;
	s11 =	sadd.s32 $0xC00, s1;
	s12 =	sadd.s32 $0xE00, s1  }
0x8: {  	s13 =	sadd.s32 $0x1000, s1;
	s14 =	sadd.s32 $0x1200, s1;
	s15 =	sadd.s32 $0x1400, s1  }
0x9: {  	s16 =	sadd.s32 $0x1600, s1;
	s17 =	sadd.s32 $0x1800, s1;
	s18 =	sadd.s32 $0x1A00, s1  }
0xa: {  	s19 =	sadd.s32 $0x1C00, s1;
	s20 =	sadd.s32 $0x1E00, s1;
	s5 =	sshll.u32 s2, $0xA  }
0xb: {  	s28 =	sshll.u32 s21, $0x13;
	s6 =	ssub.s32 $0x2, s2;
	s3 =	sor.u32 s5, s3  }
.Ltmp0:
0xc: {  	s25 =	sshrl.u32 s6, $0x1;
	s0 =	sadd.s32 s3, s0;
	(pc) =	sbr.rel .LBB2_1-.Ltmp0, $4  }
0xd: {  	_ =	strace $0x80000047;
	s26 =	ssub.s32 s6, s25;
	s0 =	sadd.s32 $0x400, s0  }
0xe: {  	v0 =	vlaneseq.u32;
	s2 =	sshll.u32 s2, $0x12;
	s29 =	smax.u32 s26, $0x1;
	[dreg:$0x4] =	wrdreg s0  }
0xf: {  	s21 =	simm.s32 $0x400;
	v1 =	vshrl.u32 v0, $0x2;
	[dreg:$0x5] =	wrdreg s29;
	s0 =	sor.u32 s2, s28  }
0x10: {  	vm0 =	vmmov $0xffff;
	v0 =	vand.u32 $0x3, v0;
	v1 =	vmul.u32 $0x8, v1;
	s6 =	sadd.s32 $0x200, s1;
	s2 =	simm.s32 $0x0;
	[dreg:$0x6] =	wrdreg s0  }
.LBB2_10:
0x11: {  	s0 =	simm.s32 $0x5  }
0x12: {  	_ =	swait.ge [sflag:s0], $0x8000  }
0x13: {  	[sflag:s0] =	ssyncset.done $0x0  }
0x14: {  	s28 =	simm.s32 $0x6;
	[sflag:s0] =	ssyncadd.s32 $0xFFFF8000  }
0x15: {  	_ =	swait.ge [sflag:s28], $0x8000  }
0x16: {  	[sflag:s28] =	ssyncset.done $0x0  }
0x17: {  	s29 =	simm.s32 $0x4;
	[sflag:s28] =	ssyncadd.s32 $0xFFFF8000  }
0x18: {  	_ =	swait.ge [sflag:s29], $0x8000  }
0x19: {  	s2 =	rddreg [dreg:$0x7]  }
0x1a: {  	s1 =	rddreg [dreg:$0x5];
	s2 =	sadd.s32 $0x1, s2  }
0x1b: {  	p0 =	sne.s32 s2, s1  }
.Ltmp1:
0x1c: {  	_ = 	snop;
	(pc) =	sbr.rel @!p0 .LBB2_11-.Ltmp1, $3  }
0x1d: {  	_ =	sdelay $0x1  }
0x1e: {  	[sflag:s29] =	ssyncset.done $0x0  }
0x1f: {  	[sflag:s29] =	ssyncadd.s32 $0xFFFF8000  }
.LBB2_1:
0x20: {  	[dreg:$0x7] =	wrdreg s2  }
0x21: {  	s1 =	rddreg [dreg:$0x4];
	s0 =	simm.s32 $0x7  }
0x22: {  	[tilespmem:s4], [sflag:$0x7] =	stream.linear.gather [hbm4b:s1+s4], $0x2000, $0x38;
	[tilespmem:$0x1A000] =	vst v63  }
0x23: {  	_ =	swait.ge [sflag:s0], $0x2000  }
0x24: {  	[sflag:s0] =	ssyncset.done $0x0  }
0x25: {  	[sflag:s0] =	ssyncadd.s32 $0xFFFFE000  }
0x26: {  	v2 =	vld.msk [tilespmem:$0x0], $0xf;
	_ =	sdelay $0x4  }
0x27: {  	v3 =	vshll.u32 v2, $0x6  }
0x28: {  	v2 =	vand.u32 $0x7, v2;
	v3 =	vand.u32 $0xFFFFFE00, v3  }
0x29: {  	v2 =	vor.u32 v2, v3  }
0x2a: {  	v2 =	vperm.xlane v2, v0;
	_ =	sdelay $0x1  }
0x2b: {  	v2 =	vadd.s32 v1, v2;
	_ =	sdelay $0x3  }
0x2c: {  	s1 =	rddreg [dreg:$0x1]  }
0x2d: {  	[tilespmem:s31], [sflag:$0x1] =	stream.indirect_vreg.gather [hbm4b:s1+s4], $0x80, v2, vm0, $0xb8;
	[tilespmem:$0x1A000] =	vst v63  }
0x2e: {  	s0 =	simm.s32 $0x2800  }
0x2f: {  	[tilespmem:s0], [sflag:$0x1] =	stream.indirect_vreg.gather [hbm4b:s6+s4], $0x80, v2, vm0, $0xb8;
	[tilespmem:$0x1A000] =	vst v63  }
0x30: {  	s1 =	simm.s32 $0x3000  }
0x31: {  	[tilespmem:s1], [sflag:$0x1] =	stream.indirect_vreg.gather [hbm4b:s7+s4], $0x80, v2, vm0, $0xb8;
	[tilespmem:$0x1A000] =	vst v63  }
0x32: {  	s2 =	simm.s32 $0x3800  }
0x33: {  	[tilespmem:s2], [sflag:$0x1] =	stream.indirect_vreg.gather [hbm4b:s8+s4], $0x80, v2, vm0, $0xb8;
	[tilespmem:$0x1A000] =	vst v63  }
0x34: {  	s3 =	simm.s32 $0x4000  }
0x35: {  	[tilespmem:s3], [sflag:$0x1] =	stream.indirect_vreg.gather [hbm4b:s9+s4], $0x80, v2, vm0, $0xb8;
	[tilespmem:$0x1A000] =	vst v63  }
0x36: {  	s5 =	simm.s32 $0x4800  }
0x37: {  	[tilespmem:s5], [sflag:$0x1] =	stream.indirect_vreg.gather [hbm4b:s10+s4], $0x80, v2, vm0, $0xb8;
	[tilespmem:$0x1A000] =	vst v63  }
0x38: {  	s24 =	simm.s32 $0x5000  }
0x39: {  	[tilespmem:s24], [sflag:$0x1] =	stream.indirect_vreg.gather [hbm4b:s11+s4], $0x80, v2, vm0, $0xb8;
	[tilespmem:$0x1A000] =	vst v63  }
0x3a: {  	s25 =	simm.s32 $0x5800  }
0x3b: {  	[tilespmem:s25], [sflag:$0x1] =	stream.indirect_vreg.gather [hbm4b:s12+s4], $0x80, v2, vm0, $0xb8;
	[tilespmem:$0x1A000] =	vst v63  }
0x3c: {  	s26 =	simm.s32 $0x6000  }
0x3d: {  	[tilespmem:s26], [sflag:$0x1] =	stream.indirect_vreg.gather [hbm4b:s13+s4], $0x80, v2, vm0, $0xb8;
	[tilespmem:$0x1A000] =	vst v63  }
0x3e: {  	s1 =	simm.s32 $0x6800  }
0x3f: {  	[tilespmem:s1], [sflag:$0x1] =	stream.indirect_vreg.gather [hbm4b:s14+s4], $0x80, v2, vm0, $0xb8;
	[tilespmem:$0x1A000] =	vst v63  }
0x40: {  	s2 =	simm.s32 $0x7000  }
0x41: {  	[tilespmem:s2], [sflag:$0x1] =	stream.indirect_vreg.gather [hbm4b:s15+s4], $0x80, v2, vm0, $0xb8;
	[tilespmem:$0x1A000] =	vst v63  }
0x42: {  	s3 =	simm.s32 $0x7800  }
0x43: {  	[tilespmem:s3], [sflag:$0x1] =	stream.indirect_vreg.gather [hbm4b:s16+s4], $0x80, v2, vm0, $0xb8;
	[tilespmem:$0x1A000] =	vst v63  }
0x44: {  	s5 =	simm.s32 $0x8000  }
0x45: {  	[tilespmem:s5], [sflag:$0x1] =	stream.indirect_vreg.gather [hbm4b:s17+s4], $0x80, v2, vm0, $0xb8;
	[tilespmem:$0x1A000] =	vst v63  }
0x46: {  	s24 =	simm.s32 $0x8800  }
0x47: {  	[tilespmem:s24], [sflag:$0x1] =	stream.indirect_vreg.gather [hbm4b:s18+s4], $0x80, v2, vm0, $0xb8;
	[tilespmem:$0x1A000] =	vst v63  }
.Ltmp2:
0x48: {  	s28 =	simm.s32 $0x40;
	(pc) =	sbr.rel .LBB2_2-.Ltmp2, $4  }
0x49: {  	s29 =	simm.s32 $0x0;
	s25 =	simm.s32 $0x9000;
	s26 =	simm.s32 $0x9800  }
0x4a: {  	[tilespmem:s25], [sflag:$0x1] =	stream.indirect_vreg.gather [hbm4b:s19+s4], $0x80, v2, vm0, $0xb8;
	[tilespmem:$0x1A000] =	vst v63  }
0x4b: {  	s3 =	simm.s32 $0x0;
	s5 =	simm.s32 $0x100;
	s25 =	rddreg [dreg:$0x6]  }
0x4c: {  	[tilespmem:s26], [sflag:$0x1] =	stream.indirect_vreg.gather [hbm4b:s20+s4], $0x80, v2, vm0, $0xb8;
	[tilespmem:$0x1A000] =	vst v63  }
.LBB2_9:
0x4d: {  	v2 =	vld.msk [tilespmem:s5+$0x0], $0xf;
	_ =	sdelay $0x4  }
0x4e: {  	v3 =	vshll.u32 v2, $0x6  }
0x4f: {  	v2 =	vand.u32 $0x7, v2;
	v3 =	vand.u32 $0xFFFFFE00, v3  }
0x50: {  	v2 =	vor.u32 v2, v3  }
0x51: {  	v2 =	vperm.xlane v2, v0;
	_ =	sdelay $0x1  }
0x52: {  	v2 =	vadd.s32 v1, v2;
	_ =	sdelay $0x3  }
0x53: {  	s31 =	rddreg [dreg:$0x1]  }
0x54: {  	[tilespmem:s22], [sflag:$0x3] =	stream.indirect_vreg.gather [hbm4b:s31+s4], $0x80, v2, vm0, $0xb8;
	[tilespmem:$0x1A000] =	vst v63  }
0x55: {  	s1 =	simm.s32 $0x12800  }
0x56: {  	[tilespmem:s1], [sflag:$0x3] =	stream.indirect_vreg.gather [hbm4b:s6+s4], $0x80, v2, vm0, $0xb8;
	[tilespmem:$0x1A000] =	vst v63  }
0x57: {  	s24 =	simm.s32 $0x13000  }
0x58: {  	[tilespmem:s24], [sflag:$0x3] =	stream.indirect_vreg.gather [hbm4b:s7+s4], $0x80, v2, vm0, $0xb8;
	[tilespmem:$0x1A000] =	vst v63  }
0x59: {  	s2 =	simm.s32 $0x13800  }
0x5a: {  	[tilespmem:s2], [sflag:$0x3] =	stream.indirect_vreg.gather [hbm4b:s8+s4], $0x80, v2, vm0, $0xb8;
	[tilespmem:$0x1A000] =	vst v63  }
0x5b: {  	s21 =	simm.s32 $0x14000  }
0x5c: {  	[tilespmem:s21], [sflag:$0x3] =	stream.indirect_vreg.gather [hbm4b:s9+s4], $0x80, v2, vm0, $0xb8;
	[tilespmem:$0x1A000] =	vst v63  }
0x5d: {  	s24 =	simm.s32 $0x14800  }
0x5e: {  	[tilespmem:s24], [sflag:$0x3] =	stream.indirect_vreg.gather [hbm4b:s10+s4], $0x80, v2, vm0, $0xb8;
	[tilespmem:$0x1A000] =	vst v63  }
0x5f: {  	s2 =	simm.s32 $0x15000  }
0x60: {  	[tilespmem:s2], [sflag:$0x3] =	stream.indirect_vreg.gather [hbm4b:s11+s4], $0x80, v2, vm0, $0xb8;
	[tilespmem:$0x1A000] =	vst v63  }
0x61: {  	s21 =	simm.s32 $0x15800  }
0x62: {  	[tilespmem:s21], [sflag:$0x3] =	stream.indirect_vreg.gather [hbm4b:s12+s4], $0x80, v2, vm0, $0xb8;
	[tilespmem:$0x1A000] =	vst v63  }
0x63: {  	s24 =	simm.s32 $0x16000  }
0x64: {  	[tilespmem:s24], [sflag:$0x3] =	stream.indirect_vreg.gather [hbm4b:s13+s4], $0x80, v2, vm0, $0xb8;
	[tilespmem:$0x1A000] =	vst v63  }
0x65: {  	s2 =	simm.s32 $0x16800  }
0x66: {  	[tilespmem:s2], [sflag:$0x3] =	stream.indirect_vreg.gather [hbm4b:s14+s4], $0x80, v2, vm0, $0xb8;
	[tilespmem:$0x1A000] =	vst v63  }
0x67: {  	s21 =	simm.s32 $0x17000  }
0x68: {  	[tilespmem:s21], [sflag:$0x3] =	stream.indirect_vreg.gather [hbm4b:s15+s4], $0x80, v2, vm0, $0xb8;
	[tilespmem:$0x1A000] =	vst v63  }
0x69: {  	s24 =	simm.s32 $0x17800  }
0x6a: {  	[tilespmem:s24], [sflag:$0x3] =	stream.indirect_vreg.gather [hbm4b:s16+s4], $0x80, v2, vm0, $0xb8;
	[tilespmem:$0x1A000] =	vst v63  }
0x6b: {  	s2 =	simm.s32 $0x18000  }
0x6c: {  	[tilespmem:s2], [sflag:$0x3] =	stream.indirect_vreg.gather [hbm4b:s17+s4], $0x80, v2, vm0, $0xb8;
	[tilespmem:$0x1A000] =	vst v63  }
0x6d: {  	s21 =	simm.s32 $0x18800  }
0x6e: {  	[tilespmem:s21], [sflag:$0x3] =	stream.indirect_vreg.gather [hbm4b:s18+s4], $0x80, v2, vm0, $0xb8;
	[tilespmem:$0x1A000] =	vst v63  }
0x6f: {  	s24 =	simm.s32 $0x19000  }
0x70: {  	[tilespmem:s24], [sflag:$0x3] =	stream.indirect_vreg.gather [hbm4b:s19+s4], $0x80, v2, vm0, $0xb8;
	[tilespmem:$0x1A000] =	vst v63  }
0x71: {  	s2 =	simm.s32 $0x19800;
	s21 =	simm.s32 $0x2  }
0x72: {  	[tilespmem:s2], [sflag:$0x3] =	stream.indirect_vreg.gather [hbm4b:s20+s4], $0x80, v2, vm0, $0xb8;
	[tilespmem:$0x1A000] =	vst v63  }
0x73: {  	_ =	swait.ge [sflag:s21], $0x8000  }
0x74: {  	[sflag:s21] =	ssyncset.done $0x0  }
0x75: {  	s24 =	sadd.s32 $0x1000, s25;
	s2 =	sand.u32 $0x40, s28;
	s1 =	rddreg [dreg:$0x2]  }
0x76: {  	s24 =	sand.u32 $0xFFE000, s24;
	[sflag:s21] =	ssyncadd.s32 $0xFFFF8000;
	s2 =	sadd.s32 s1, s2  }
0x77: {  	s21 =	simm.s32 $0xA000;
	s2 =	sadd.s32 s24, s2;
	s24 =	simm.s32 $0x200  }
0x78: {  	[hbm4b:s2+s24] =	stream.strided.scatter [tilespmem:s21], [sflag:$0x5], $0x8000, s23, s24, $0x38;
	[tilespmem:$0x1A000] =	vst v63  }
0x79: {  	s21 =	simm.s32 $0x4  }
0x7a: {  	_ =	swait.ge [sflag:s21], $0x8000  }
0x7b: {  	[sflag:s21] =	ssyncset.done $0x0  }
0x7c: {  	[sflag:s21] =	ssyncadd.s32 $0xFFFF8000  }
0x7d: {  	v2 =	vld.msk [tilespmem:s5+$0x80], $0xf;
	_ =	sdelay $0x4  }
0x7e: {  	v3 =	vshll.u32 v2, $0x6  }
0x7f: {  	v2 =	vand.u32 $0x7, v2;
	v3 =	vand.u32 $0xFFFFFE00, v3  }
0x80: {  	v2 =	vor.u32 v2, v3  }
0x81: {  	v2 =	vperm.xlane v2, v0;
	_ =	sdelay $0x1  }
0x82: {  	v2 =	vadd.s32 v1, v2;
	_ =	sdelay $0x3  }
0x83: {  	s0 =	simm.s32 $0x2000  }
0x84: {  	[tilespmem:s0], [sflag:$0x1] =	stream.indirect_vreg.gather [hbm4b:s31+s4], $0x80, v2, vm0, $0xb8;
	[tilespmem:$0x1A000] =	vst v63  }
0x85: {  	s1 =	simm.s32 $0x2800  }
0x86: {  	[tilespmem:s1], [sflag:$0x1] =	stream.indirect_vreg.gather [hbm4b:s6+s4], $0x80, v2, vm0, $0xb8;
	[tilespmem:$0x1A000] =	vst v63  }
0x87: {  	s2 =	simm.s32 $0x3000  }
0x88: {  	[tilespmem:s2], [sflag:$0x1] =	stream.indirect_vreg.gather [hbm4b:s7+s4], $0x80, v2, vm0, $0xb8;
	[tilespmem:$0x1A000] =	vst v63  }
0x89: {  	s21 =	simm.s32 $0x3800  }
0x8a: {  	[tilespmem:s21], [sflag:$0x1] =	stream.indirect_vreg.gather [hbm4b:s8+s4], $0x80, v2, vm0, $0xb8;
	[tilespmem:$0x1A000] =	vst v63  }
0x8b: {  	s1 =	simm.s32 $0x4000  }
0x8c: {  	[tilespmem:s1], [sflag:$0x1] =	stream.indirect_vreg.gather [hbm4b:s9+s4], $0x80, v2, vm0, $0xb8;
	[tilespmem:$0x1A000] =	vst v63  }
0x8d: {  	s2 =	simm.s32 $0x4800  }
0x8e: {  	[tilespmem:s2], [sflag:$0x1] =	stream.indirect_vreg.gather [hbm4b:s10+s4], $0x80, v2, vm0, $0xb8;
	[tilespmem:$0x1A000] =	vst v63  }
0x8f: {  	s21 =	simm.s32 $0x5000  }
0x90: {  	[tilespmem:s21], [sflag:$0x1] =	stream.indirect_vreg.gather [hbm4b:s11+s4], $0x80, v2, vm0, $0xb8;
	[tilespmem:$0x1A000] =	vst v63  }
0x91: {  	s1 =	simm.s32 $0x5800  }
0x92: {  	[tilespmem:s1], [sflag:$0x1] =	stream.indirect_vreg.gather [hbm4b:s12+s4], $0x80, v2, vm0, $0xb8;
	[tilespmem:$0x1A000] =	vst v63  }
0x93: {  	s2 =	simm.s32 $0x6000  }
0x94: {  	[tilespmem:s2], [sflag:$0x1] =	stream.indirect_vreg.gather [hbm4b:s13+s4], $0x80, v2, vm0, $0xb8;
	[tilespmem:$0x1A000] =	vst v63  }
0x95: {  	s21 =	simm.s32 $0x6800  }
0x96: {  	[tilespmem:s21], [sflag:$0x1] =	stream.indirect_vreg.gather [hbm4b:s14+s4], $0x80, v2, vm0, $0xb8;
	[tilespmem:$0x1A000] =	vst v63  }
0x97: {  	s1 =	simm.s32 $0x7000  }
0x98: {  	[tilespmem:s1], [sflag:$0x1] =	stream.indirect_vreg.gather [hbm4b:s15+s4], $0x80, v2, vm0, $0xb8;
	[tilespmem:$0x1A000] =	vst v63  }
0x99: {  	s2 =	simm.s32 $0x7800  }
0x9a: {  	[tilespmem:s2], [sflag:$0x1] =	stream.indirect_vreg.gather [hbm4b:s16+s4], $0x80, v2, vm0, $0xb8;
	[tilespmem:$0x1A000] =	vst v63  }
0x9b: {  	s21 =	simm.s32 $0x8000  }
0x9c: {  	[tilespmem:s21], [sflag:$0x1] =	stream.indirect_vreg.gather [hbm4b:s17+s4], $0x80, v2, vm0, $0xb8;
	[tilespmem:$0x1A000] =	vst v63  }
0x9d: {  	s30 =	simm.s32 $0x200;
	s29 =	sadd.s32 $0x1, s29;
	s1 =	simm.s32 $0x8800  }
0x9e: {  	[tilespmem:s1], [sflag:$0x1] =	stream.indirect_vreg.gather [hbm4b:s18+s4], $0x80, v2, vm0, $0xb8;
	[tilespmem:$0x1A000] =	vst v63  }
0x9f: {  	s3 =	sadd.s32 $0x40, s3;
	s28 =	sadd.s32 $0xC0, s28;
	s2 =	simm.s32 $0x9000  }
0xa0: {  	[tilespmem:s2], [sflag:$0x1] =	stream.indirect_vreg.gather [hbm4b:s19+s4], $0x80, v2, vm0, $0xb8;
	[tilespmem:$0x1A000] =	vst v63  }
0xa1: {  	s5 =	sadd.s32 $0x180, s5;
	s21 =	simm.s32 $0x9800;
	s1 =	simm.s32 $0x3  }
0xa2: {  	[tilespmem:s21], [sflag:$0x1] =	stream.indirect_vreg.gather [hbm4b:s20+s4], $0x80, v2, vm0, $0xb8;
	[tilespmem:$0x1A000] =	vst v63  }
0xa3: {  	s31 =	simm.s32 $0x2000;
	s21 =	sadd.s32 $0x2000, s25;
	_ =	swait.ge [sflag:s1], $0x8000  }
0xa4: {  	s25 =	sadd.s32 $0x3000, s25;
	s2 =	sand.u32 $0xFFFE000, s21;
	[sflag:s1] =	ssyncset.done $0x0  }
0xa5: {  	s21 =	simm.s32 $0x400;
	s2 =	sadd.s32 s2, s26;
	[sflag:s1] =	ssyncadd.s32 $0xFFFF8000  }
0xa6: {  	[hbm4b:s2+s24] =	stream.strided.scatter [tilespmem:s22], [sflag:$0x6], $0x8000, s23, s24, $0x38;
	[tilespmem:$0x1A000] =	vst v63  }
.LBB2_2:
0xa7: {  	p0 =	seq.s32 s29, $0x0  }
.Ltmp3:
0xa8: {  	_ = 	snop;
	(pc) =	sbr.rel @p0 .LBB2_5-.Ltmp3, $1  }
0xa9: {  	_ =	sdelay $0x3  }
0xaa: {  	p1 =	seq.s32 s29, $0x15  }
.Ltmp4:
0xab: {  	_ = 	snop;
	(pc) =	sbr.rel @p1 .LBB2_6-.Ltmp4, $1  }
0xac: {  	_ =	sdelay $0x3  }
0xad: {  	s0 =	simm.s32 $0x5  }
0xae: {  	_ =	swait.ge [sflag:s0], $0x8000  }
0xaf: {  	[sflag:s0] =	ssyncset.done $0x0  }
0xb0: {  	[sflag:s0] =	ssyncadd.s32 $0xFFFF8000  }
.LBB2_5:
0xb1: {  	v2 =	vld.msk [tilespmem:s5+$0xFFFFFF80], $0xf;
	_ =	sdelay $0x4  }
0xb2: {  	v3 =	vshll.u32 v2, $0x6  }
0xb3: {  	v2 =	vand.u32 $0x7, v2;
	v3 =	vand.u32 $0xFFFFFE00, v3  }
0xb4: {  	v2 =	vor.u32 v2, v3  }
0xb5: {  	v2 =	vperm.xlane v2, v0;
	_ =	sdelay $0x1  }
0xb6: {  	v2 =	vadd.s32 v1, v2;
	_ =	sdelay $0x3  }
0xb7: {  	s1 =	rddreg [dreg:$0x1];
	s0 =	simm.s32 $0xA000  }
0xb8: {  	[tilespmem:s0], [sflag:$0x2] =	stream.indirect_vreg.gather [hbm4b:s1+s4], $0x80, v2, vm0, $0xb8;
	[tilespmem:$0x1A000] =	vst v63  }
0xb9: {  	s2 =	simm.s32 $0xA800  }
0xba: {  	[tilespmem:s2], [sflag:$0x2] =	stream.indirect_vreg.gather [hbm4b:s6+s4], $0x80, v2, vm0, $0xb8;
	[tilespmem:$0x1A000] =	vst v63  }
0xbb: {  	s24 =	simm.s32 $0xB000  }
0xbc: {  	[tilespmem:s24], [sflag:$0x2] =	stream.indirect_vreg.gather [hbm4b:s7+s4], $0x80, v2, vm0, $0xb8;
	[tilespmem:$0x1A000] =	vst v63  }
0xbd: {  	s26 =	simm.s32 $0xB800  }
0xbe: {  	[tilespmem:s26], [sflag:$0x2] =	stream.indirect_vreg.gather [hbm4b:s8+s4], $0x80, v2, vm0, $0xb8;
	[tilespmem:$0x1A000] =	vst v63  }
0xbf: {  	s1 =	simm.s32 $0xC000  }
0xc0: {  	[tilespmem:s1], [sflag:$0x2] =	stream.indirect_vreg.gather [hbm4b:s9+s4], $0x80, v2, vm0, $0xb8;
	[tilespmem:$0x1A000] =	vst v63  }
0xc1: {  	s2 =	simm.s32 $0xC800  }
0xc2: {  	[tilespmem:s2], [sflag:$0x2] =	stream.indirect_vreg.gather [hbm4b:s10+s4], $0x80, v2, vm0, $0xb8;
	[tilespmem:$0x1A000] =	vst v63  }
0xc3: {  	s24 =	simm.s32 $0xD000  }
0xc4: {  	[tilespmem:s24], [sflag:$0x2] =	stream.indirect_vreg.gather [hbm4b:s11+s4], $0x80, v2, vm0, $0xb8;
	[tilespmem:$0x1A000] =	vst v63  }
0xc5: {  	s26 =	simm.s32 $0xD800  }
0xc6: {  	[tilespmem:s26], [sflag:$0x2] =	stream.indirect_vreg.gather [hbm4b:s12+s4], $0x80, v2, vm0, $0xb8;
	[tilespmem:$0x1A000] =	vst v63  }
0xc7: {  	s1 =	simm.s32 $0xE000  }
0xc8: {  	[tilespmem:s1], [sflag:$0x2] =	stream.indirect_vreg.gather [hbm4b:s13+s4], $0x80, v2, vm0, $0xb8;
	[tilespmem:$0x1A000] =	vst v63  }
0xc9: {  	s2 =	simm.s32 $0xE800  }
0xca: {  	[tilespmem:s2], [sflag:$0x2] =	stream.indirect_vreg.gather [hbm4b:s14+s4], $0x80, v2, vm0, $0xb8;
	[tilespmem:$0x1A000] =	vst v63  }
0xcb: {  	s24 =	simm.s32 $0xF000  }
0xcc: {  	[tilespmem:s24], [sflag:$0x2] =	stream.indirect_vreg.gather [hbm4b:s15+s4], $0x80, v2, vm0, $0xb8;
	[tilespmem:$0x1A000] =	vst v63  }
0xcd: {  	s26 =	simm.s32 $0xF800  }
0xce: {  	[tilespmem:s26], [sflag:$0x2] =	stream.indirect_vreg.gather [hbm4b:s16+s4], $0x80, v2, vm0, $0xb8;
	[tilespmem:$0x1A000] =	vst v63  }
0xcf: {  	s1 =	simm.s32 $0x10000  }
0xd0: {  	[tilespmem:s1], [sflag:$0x2] =	stream.indirect_vreg.gather [hbm4b:s17+s4], $0x80, v2, vm0, $0xb8;
	[tilespmem:$0x1A000] =	vst v63  }
0xd1: {  	s2 =	simm.s32 $0x10800  }
0xd2: {  	[tilespmem:s2], [sflag:$0x2] =	stream.indirect_vreg.gather [hbm4b:s18+s4], $0x80, v2, vm0, $0xb8;
	[tilespmem:$0x1A000] =	vst v63  }
0xd3: {  	s24 =	simm.s32 $0x11000  }
0xd4: {  	[tilespmem:s24], [sflag:$0x2] =	stream.indirect_vreg.gather [hbm4b:s19+s4], $0x80, v2, vm0, $0xb8;
	[tilespmem:$0x1A000] =	vst v63  }
0xd5: {  	s26 =	simm.s32 $0x11800  }
0xd6: {  	[tilespmem:s26], [sflag:$0x2] =	stream.indirect_vreg.gather [hbm4b:s20+s4], $0x80, v2, vm0, $0xb8;
	[tilespmem:$0x1A000] =	vst v63  }
.LBB2_6:
0xd7: {  	s0 =	simm.s32 $0x1  }
0xd8: {  	_ =	swait.ge [sflag:s0], $0x8000  }
.Ltmp5:
0xd9: {  	[sflag:s0] =	ssyncset.done $0x0;
	(pc) =	sbr.rel @p0 .LBB2_9-.Ltmp5, $4  }
0xda: {  	s26 =	sand.u32 $0x40, s3;
	s2 =	rddreg [dreg:$0x2]  }
0xdb: {  	s24 =	sand.u32 $0xFFFE000, s25;
	s26 =	sadd.s32 s2, s26  }
0xdc: {  	[sflag:s0] =	ssyncadd.s32 $0xFFFF8000;
	s24 =	sadd.s32 s24, s26  }
0xdd: {  	[hbm4b:s24+s30] =	stream.strided.scatter [tilespmem:s31], [sflag:$0x4], $0x8000, s21, s30, $0x38;
	[tilespmem:$0x1A000] =	vst v63  }
0xde: {  	p0 =	seq.s32 s29, $0x15  }
.Ltmp6:
0xdf: {  	_ = 	snop;
	(pc) =	sbr.rel @p0 .LBB2_10-.Ltmp6, $1  }
0xe0: {  	_ =	sdelay $0x3  }
.Ltmp7:
0xe1: {  	(pc) =	sbr.rel .LBB2_9-.Ltmp7, $4  }
0xe2: {  	s0 =	simm.s32 $0x6  }
0xe3: {  	_ =	swait.ge [sflag:s0], $0x8000  }
0xe4: {  	[sflag:s0] =	ssyncset.done $0x0  }
0xe5: {  	[sflag:s0] =	ssyncadd.s32 $0xFFFF8000  }
.LBB2_11:
0xe6: {  	_ =	sfence.sel $0x180000  }
0xe7: {  	[bflag:$0x0] =	sbarrier.arrive $0xFFFF  }
0xe8: {  	_ =	strace $0x90000047  }
0xe9: {  	s0 =	stileid.u32;
	[bflag:$0x2] =	sbarrier.arrive $0xFFFF  }
0xea: {  	p0 =	sne.s32 s0, $0x0;
	s0 =	rddreg [dreg:$0x3]  }
0xeb: {  	s0 =	sadd.s32 @!p0 $0x100000, s0  }
0xec: {  	[sflag:s0] =	ssyncadd.tile.s32 @!p0 $0x1;
	_ =	shalt  }
.Lfunc_end2:
_tile_overlayer_lowered:
.L_overlay_start_2:
0xed: {  	(tag) =	ssettag $0x2  }
0xee: {  	s0 =	rddreg [dreg:$0x0];
	s2 =	stileid.u32  }
0xef: {  	s1 =	rddreg [dreg:$0x1];
	p0 =	sne.s32 s2, $0x0  }
0xf0: {  	s3 =	rddreg [dreg:$0x2];
	[bflag:$0x3] =	sbarrier.arrive $0xFFFF;
	s2 =	simm.s32 @!p0 $0x1C07  }
0xf1: {  	[timem:s3], [sflag:s2] =	dma.local @!p0 [hbm:s0], s1  }
0xf2: {  	s0 =	simm.s32 @!p0 $0x7  }
0xf3: {  	_ =	swait.ge @!p0 [sflag:s0], s1  }
0xf4: {  	s1 =	ssub.s32 @!p0 $0x0, s1;
	[sflag:s0] =	ssyncset.done @!p0 $0x0  }
0xf5: {  	[sflag:s0] =	ssyncadd.s32 @!p0 s1  }
0xf6: {  	[bflag:$0x3] =	sbarrier.arrive $0xFFFF  }
0xf7: {  	_ =	shalt  }

</sc_bundles>
